<compile_context>
chip_gen: v7x
topology: tpu7x:2x2x1
jax: 0.10.2.dev20260603
libtpu: 0.0.44.dev20260713+nightly
codegen_flags: <defaults>
</compile_context>

<pallas_src>
import functools

import jax
import jax.numpy as jnp
from jax import lax
from jax.experimental import pallas as pl
from jax.experimental.pallas import tpu as pltpu
from jax.experimental.pallas import tpu_sc as plsc

_B = 64
_C = 3
_H = 128


def kernel(x, t, lr_up, t_embeddings):
    info = plsc.get_sparse_core_info()
    nc = info.num_cores
    nw = nc * info.num_subcores
    b_per_w = _B // nw
    idx_pad = jnp.pad(t.astype(jnp.int32).reshape(nw, b_per_w, 1),
                      ((0, 0), (0, 0), (0, 7))).reshape(nw, 8 * b_per_w)

    mesh = plsc.VectorSubcoreMesh(core_axis_name="c", subcore_axis_name="s")

    @functools.partial(
        pl.kernel,
        out_type=jax.ShapeDtypeStruct((_B, 1 + _C, _H, _H), jnp.float32),
        mesh=mesh,
        scratch_types=[
            pltpu.VMEM((16,), jnp.int32),
            pltpu.VMEM((2 * _C + 1, _H, _H), jnp.float32),
            pltpu.SemaphoreType.DMA((b_per_w,)),
            pltpu.SemaphoreType.DMA((b_per_w + 1,)),
            pltpu.SemaphoreType.DMA((2 * b_per_w,)),
        ],
    )
    def sc_kernel(table_hbm, idx_hbm, lr_hbm, out_hbm, idx_v, pool, gsems,
                  isems, osems):
        wid = lax.axis_index("s") * nc + lax.axis_index("c")
        b0 = wid * b_per_w
        pool_flat = pool.reshape(2 * _C + 1, _H * _H)
        lr3 = lr_hbm.reshape(_B * _C, _H, _H)
        out3 = out_hbm.reshape(_B * (1 + _C), _H, _H)

        icp = pltpu.async_copy(idx_hbm.at[wid], idx_v, isems.at[b_per_w])
        in_cp = [
            pltpu.async_copy(
                lr3.at[pl.ds(_C * (b0 + i), _C)],
                pool.at[pl.ds(_C * i, _C)], isems.at[i])
            for i in range(b_per_w)
        ]
        icp.wait()
        gather_slot = pool_flat.at[pl.ds(2 * _C, 1)]
        gout = []
        out_cp = []
        for i in range(b_per_w):
            pltpu.async_copy(
                table_hbm.at[idx_v.at[pl.ds(8 * i, 1)]], gather_slot,
                gsems.at[i]).wait()
            gout.append(pltpu.async_copy(
                pool.at[pl.ds(2 * _C, 1)],
                out3.at[pl.ds((1 + _C) * (b0 + i), 1)], osems.at[i]))
            if i + 1 < b_per_w:
                gout[i].wait()
            in_cp[i].wait()
            out_cp.append(pltpu.async_copy(
                pool.at[pl.ds(_C * i, _C)],
                out3.at[pl.ds((1 + _C) * (b0 + i) + 1, _C)],
                osems.at[b_per_w + i]))
        for cp in out_cp:
            cp.wait()
        gout[-1].wait()

    return sc_kernel(t_embeddings, idx_pad, lr_up)

# --- scband reference (transcript-rebuilt; emitter-appended) ---
"""Pipeline reference for scband-low-res-img-and-time-step-embeddings-55095840473612 (READ-ONLY COPY).

The authoritative reference and input builder live on the scoring server;
editing this copy changes nothing except your own understanding.
"""

import jax, jax.numpy as jnp
import numpy as np
import math

TIME_STEPS = 1000
IMG_SIZE = 128
EMBED_DIM = IMG_SIZE * IMG_SIZE


def _build_t_embeddings():
    position_t = np.arange(TIME_STEPS, dtype=np.float32)[:, None]
    div_t = np.exp(np.arange(0, EMBED_DIM, 2, dtype=np.float32) * -(math.log(10000.0) / EMBED_DIM))
    emb = np.zeros((TIME_STEPS, EMBED_DIM), dtype=np.float32)
    emb[:, 0::2] = np.cos(position_t * div_t)
    emb[:, 1::2] = np.sin(position_t * div_t)
    return jnp.asarray(emb)


def setup_inputs(seed: int = 0) -> dict:
    key = jax.random.key(seed)
    k1, k2, k3 = jax.random.split(key, 3)
    x = jax.random.normal(k1, (64, 3, IMG_SIZE, IMG_SIZE), dtype=jnp.float32)
    t = jax.random.randint(k2, (64,), 0, TIME_STEPS, dtype=jnp.int64 if jax.config.jax_enable_x64 else jnp.int32)
    lr_up = jax.random.normal(k3, (64, 3, IMG_SIZE, IMG_SIZE), dtype=jnp.float32)
    t_embeddings = _build_t_embeddings()
    return {"x": x, "t": t, "lr_up": lr_up, "t_embeddings": t_embeddings}


def reference(x, t, lr_up, t_embeddings):
    # embedding gather: table[t] -> [B, embed_dim]
    embeds_t = jnp.take(t_embeddings, t, axis=0)
    embeds_t = embeds_t.reshape(x.shape[0], 1, x.shape[2], x.shape[3])
    embeds_total = jnp.concatenate((embeds_t, lr_up), axis=1)
    return embeds_total

if __name__ == "__main__":
    import jax
    _d = setup_inputs()
    print(jax.jit(kernel)(*tuple(_d.values())))

</pallas_src>

<mosaic_0001>
#map = affine_map<(d0, d1) -> (0, 0)>
#map1 = affine_map<(d0, d1) -> (0, 0, 0, 0)>
module attributes {stable_mosaic.version = 14 : i64} {
  func.func @sc_kernel(%arg0: i32, %arg1: i32, %arg2: memref<1000x16384xf32, #tpu.memory_space<hbm>>, %arg3: memref<32x16xi32, #tpu.memory_space<hbm>>, %arg4: memref<64x3x128x128xf32, #tpu.memory_space<hbm>>, %arg5: memref<64x4x128x128xf32, #tpu.memory_space<hbm>>, %arg6: memref<16xi32, #tpu.memory_space<vmem>>, %arg7: memref<7x128x128xf32, #tpu.memory_space<vmem>>, %arg8: memref<2x!tpu.dma_semaphore, #tpu.memory_space<semaphore_mem>>, %arg9: memref<3x!tpu.dma_semaphore, #tpu.memory_space<semaphore_mem>>, %arg10: memref<4x!tpu.dma_semaphore, #tpu.memory_space<semaphore_mem>>) attributes {dimension_semantics = [#tpu.dimension_semantics<core_parallel>, #tpu.dimension_semantics<subcore_parallel>], iteration_bounds = array<i64: 2, 16>, scalar_prefetch = 0 : i64, scratch_operands = 5 : i64, tpu.core_type = #tpu.core_type<sc_vector_subcore>, window_params = [{transform_indices = #map}, {transform_indices = #map}, {transform_indices = #map1}, {transform_indices = #map1}]} {
    %mul3A = arith.constant 2 : i32
    %mul3A_0 = arith.muli %arg1, %mul3A : i32
    %add3A = arith.addi %mul3A_0, %arg0 : i32
    %mul3A_1 = arith.constant 2 : i32
    %mul3A_2 = arith.muli %add3A, %mul3A_1 : i32
    %dma_start3A = arith.constant 2 : i32
    %dma_start3A_3 = arith.constant 0 : i32
    %dma_start3A_4 = tpu.memref_slice %arg3[%add3A, %dma_start3A_3] : memref<32x16xi32, #tpu.memory_space<hbm>> -> memref<1x16xi32, #tpu.memory_space<hbm>>
    %dma_start3A_5 = tpu.memref_squeeze %dma_start3A_4 : memref<1x16xi32, #tpu.memory_space<hbm>> -> memref<16xi32, #tpu.memory_space<hbm>>
    %dma_start3A_6 = tpu.memref_slice %arg9[%dma_start3A] : memref<3x!tpu.dma_semaphore, #tpu.memory_space<semaphore_mem>> -> memref<1x!tpu.dma_semaphore, #tpu.memory_space<semaphore_mem>>
    %dma_start3A_7 = tpu.memref_squeeze %dma_start3A_6 : memref<1x!tpu.dma_semaphore, #tpu.memory_space<semaphore_mem>> -> memref<!tpu.dma_semaphore, #tpu.memory_space<semaphore_mem>>
    %dma_start3A_8 = arith.constant 0 : i32
    %dma_start3A_9 = tpu.memref_slice %arg3[%add3A, %dma_start3A_8] : memref<32x16xi32, #tpu.memory_space<hbm>> -> memref<1x16xi32, #tpu.memory_space<hbm>>
    %dma_start3A_10 = tpu.memref_squeeze %dma_start3A_9 : memref<1x16xi32, #tpu.memory_space<hbm>> -> memref<16xi32, #tpu.memory_space<hbm>>
    tpu.enqueue_dma source(%dma_start3A_10 : memref<16xi32, #tpu.memory_space<hbm>>) target(%arg6 : memref<16xi32, #tpu.memory_space<vmem>>) target_semaphore(%dma_start3A_7 : memref<!tpu.dma_semaphore, #tpu.memory_space<semaphore_mem>>)
    %add3A_11 = arith.constant 0 : i32
    %add3A_12 = arith.addi %mul3A_2, %add3A_11 : i32
    %mul3A_13 = arith.constant 3 : i32
    %mul3A_14 = arith.muli %mul3A_13, %add3A_12 : i32
    %dma_start3A_15 = arith.constant 0 : i32
    %dma_start3A_16 = arith.constant 0 : i32
    %dma_start3A_17 = arith.constant 0 : i32
    %dma_start3A_18 = arith.constant 0 : i32
    %dma_start3A_19 = tpu.memref_slice %arg7[%dma_start3A_16, %dma_start3A_17, %dma_start3A_18] : memref<7x128x128xf32, #tpu.memory_space<vmem>> -> memref<3x128x128xf32, #tpu.memory_space<vmem>>
    %dma_start3A_20 = tpu.memref_reshape %arg4 : memref<64x3x128x128xf32, #tpu.memory_space<hbm>> -> memref<192x128x128xf32, #tpu.memory_space<hbm>>
    %dma_start3A_21 = arith.constant 0 : i32
    %dma_start3A_22 = arith.constant 0 : i32
    %dma_start3A_23 = tpu.memref_slice %dma_start3A_20[%mul3A_14, %dma_start3A_21, %dma_start3A_22] : memref<192x128x128xf32, #tpu.memory_space<hbm>> -> memref<3x128x128xf32, #tpu.memory_space<hbm>>
    %dma_start3A_24 = tpu.memref_slice %arg9[%dma_start3A_15] : memref<3x!tpu.dma_semaphore, #tpu.memory_space<semaphore_mem>> -> memref<1x!tpu.dma_semaphore, #tpu.memory_space<semaphore_mem>>
    %dma_start3A_25 = tpu.memref_squeeze %dma_start3A_24 : memref<1x!tpu.dma_semaphore, #tpu.memory_space<semaphore_mem>> -> memref<!tpu.dma_semaphore, #tpu.memory_space<semaphore_mem>>
    %dma_start3A_26 = arith.constant 0 : i32
    %dma_start3A_27 = arith.constant 0 : i32
    %dma_start3A_28 = arith.constant 0 : i32
    %dma_start3A_29 = tpu.memref_slice %arg7[%dma_start3A_26, %dma_start3A_27, %dma_start3A_28] : memref<7x128x128xf32, #tpu.memory_space<vmem>> -> memref<3x128x128xf32, #tpu.memory_space<vmem>>
    %dma_start3A_30 = tpu.memref_reshape %arg4 : memref<64x3x128x128xf32, #tpu.memory_space<hbm>> -> memref<192x128x128xf32, #tpu.memory_space<hbm>>
    %dma_start3A_31 = arith.constant 0 : i32
    %dma_start3A_32 = arith.constant 0 : i32
    %dma_start3A_33 = tpu.memref_slice %dma_start3A_30[%mul3A_14, %dma_start3A_31, %dma_start3A_32] : memref<192x128x128xf32, #tpu.memory_space<hbm>> -> memref<3x128x128xf32, #tpu.memory_space<hbm>>
    tpu.enqueue_dma source(%dma_start3A_33 : memref<3x128x128xf32, #tpu.memory_space<hbm>>) target(%dma_start3A_29 : memref<3x128x128xf32, #tpu.memory_space<vmem>>) target_semaphore(%dma_start3A_25 : memref<!tpu.dma_semaphore, #tpu.memory_space<semaphore_mem>>)
    %add3A_34 = arith.constant 1 : i32
    %add3A_35 = arith.addi %mul3A_2, %add3A_34 : i32
    %mul3A_36 = arith.constant 3 : i32
    %mul3A_37 = arith.muli %mul3A_36, %add3A_35 : i32
    %dma_start3A_38 = arith.constant 1 : i32
    %dma_start3A_39 = arith.constant 3 : i32
    %dma_start3A_40 = arith.constant 0 : i32
    %dma_start3A_41 = arith.constant 0 : i32
    %dma_start3A_42 = tpu.memref_slice %arg7[%dma_start3A_39, %dma_start3A_40, %dma_start3A_41] : memref<7x128x128xf32, #tpu.memory_space<vmem>> -> memref<3x128x128xf32, #tpu.memory_space<vmem>>
    %dma_start3A_43 = tpu.memref_reshape %arg4 : memref<64x3x128x128xf32, #tpu.memory_space<hbm>> -> memref<192x128x128xf32, #tpu.memory_space<hbm>>
    %dma_start3A_44 = arith.constant 0 : i32
    %dma_start3A_45 = arith.constant 0 : i32
    %dma_start3A_46 = tpu.memref_slice %dma_start3A_43[%mul3A_37, %dma_start3A_44, %dma_start3A_45] : memref<192x128x128xf32, #tpu.memory_space<hbm>> -> memref<3x128x128xf32, #tpu.memory_space<hbm>>
    %dma_start3A_47 = tpu.memref_slice %arg9[%dma_start3A_38] : memref<3x!tpu.dma_semaphore, #tpu.memory_space<semaphore_mem>> -> memref<1x!tpu.dma_semaphore, #tpu.memory_space<semaphore_mem>>
    %dma_start3A_48 = tpu.memref_squeeze %dma_start3A_47 : memref<1x!tpu.dma_semaphore, #tpu.memory_space<semaphore_mem>> -> memref<!tpu.dma_semaphore, #tpu.memory_space<semaphore_mem>>
    %dma_start3A_49 = arith.constant 3 : i32
    %dma_start3A_50 = arith.constant 0 : i32
    %dma_start3A_51 = arith.constant 0 : i32
    %dma_start3A_52 = tpu.memref_slice %arg7[%dma_start3A_49, %dma_start3A_50, %dma_start3A_51] : memref<7x128x128xf32, #tpu.memory_space<vmem>> -> memref<3x128x128xf32, #tpu.memory_space<vmem>>
    %dma_start3A_53 = tpu.memref_reshape %arg4 : memref<64x3x128x128xf32, #tpu.memory_space<hbm>> -> memref<192x128x128xf32, #tpu.memory_space<hbm>>
    %dma_start3A_54 = arith.constant 0 : i32
    %dma_start3A_55 = arith.constant 0 : i32
    %dma_start3A_56 = tpu.memref_slice %dma_start3A_53[%mul3A_37, %dma_start3A_54, %dma_start3A_55] : memref<192x128x128xf32, #tpu.memory_space<hbm>> -> memref<3x128x128xf32, #tpu.memory_space<hbm>>
    tpu.enqueue_dma source(%dma_start3A_56 : memref<3x128x128xf32, #tpu.memory_space<hbm>>) target(%dma_start3A_52 : memref<3x128x128xf32, #tpu.memory_space<vmem>>) target_semaphore(%dma_start3A_48 : memref<!tpu.dma_semaphore, #tpu.memory_space<semaphore_mem>>)
    %dma_wait3A = arith.constant 2 : i32
    %dma_wait3A_57 = arith.constant 0 : i32
    %dma_wait3A_58 = tpu.memref_slice %arg3[%add3A, %dma_wait3A_57] : memref<32x16xi32, #tpu.memory_space<hbm>> -> memref<1x16xi32, #tpu.memory_space<hbm>>
    %dma_wait3A_59 = tpu.memref_squeeze %dma_wait3A_58 : memref<1x16xi32, #tpu.memory_space<hbm>> -> memref<16xi32, #tpu.memory_space<hbm>>
    %dma_wait3A_60 = tpu.memref_slice %arg9[%dma_wait3A] : memref<3x!tpu.dma_semaphore, #tpu.memory_space<semaphore_mem>> -> memref<1x!tpu.dma_semaphore, #tpu.memory_space<semaphore_mem>>
    %dma_wait3A_61 = tpu.memref_squeeze %dma_wait3A_60 : memref<1x!tpu.dma_semaphore, #tpu.memory_space<semaphore_mem>> -> memref<!tpu.dma_semaphore, #tpu.memory_space<semaphore_mem>>
    %dma_wait3A_62 = arith.constant 0 : i32
    %dma_wait3A_63 = tpu.memref_slice %arg3[%add3A, %dma_wait3A_62] : memref<32x16xi32, #tpu.memory_space<hbm>> -> memref<1x16xi32, #tpu.memory_space<hbm>>
    %dma_wait3A_64 = tpu.memref_squeeze %dma_wait3A_63 : memref<1x16xi32, #tpu.memory_space<hbm>> -> memref<16xi32, #tpu.memory_space<hbm>>
    tpu.wait_dma2 semaphore(%dma_wait3A_61 : memref<!tpu.dma_semaphore, #tpu.memory_space<semaphore_mem>>) src(%dma_wait3A_64 : memref<16xi32, #tpu.memory_space<hbm>>) dst(%arg6 : memref<16xi32, #tpu.memory_space<vmem>>)
    %dma_start3A_65 = arith.constant 0 : i32
    %dma_start3A_66 = tpu.memref_reshape %arg7 : memref<7x128x128xf32, #tpu.memory_space<vmem>> -> memref<7x16384xf32, #tpu.memory_space<vmem>>
    %dma_start3A_67 = arith.constant 6 : i32
    %dma_start3A_68 = arith.constant 0 : i32
    %dma_start3A_69 = tpu.memref_slice %dma_start3A_66[%dma_start3A_67, %dma_start3A_68] : memref<7x16384xf32, #tpu.memory_space<vmem>> -> memref<1x16384xf32, #tpu.memory_space<vmem>>
    %dma_start3A_70 = arith.constant 0 : i32
    %dma_start3A_71 = tpu.memref_slice %arg6[%dma_start3A_70] : memref<16xi32, #tpu.memory_space<vmem>> -> memref<1xi32, #tpu.memory_space<vmem>>
    %dma_start3A_72 = arith.constant 0 : i32
    %dma_start3A_73 = arith.constant 0 : i32
    %dma_start3A_74 = tpu.memref_slice %arg2[%dma_start3A_72, %dma_start3A_73] : memref<1000x16384xf32, #tpu.memory_space<hbm>> -> memref<1000x16384xf32, #tpu.memory_space<hbm>>
    %dma_start3A_75 = tpu.memref_slice %arg8[%dma_start3A_65] : memref<2x!tpu.dma_semaphore, #tpu.memory_space<semaphore_mem>> -> memref<1x!tpu.dma_semaphore, #tpu.memory_space<semaphore_mem>>
    %dma_start3A_76 = tpu.memref_squeeze %dma_start3A_75 : memref<1x!tpu.dma_semaphore, #tpu.memory_space<semaphore_mem>> -> memref<!tpu.dma_semaphore, #tpu.memory_space<semaphore_mem>>
    tpu.enqueue_indirect_dma source(%dma_start3A_74 : memref<1000x16384xf32, #tpu.memory_space<hbm>>) target(%dma_start3A_69 : memref<1x16384xf32, #tpu.memory_space<vmem>>) offsets(%dma_start3A_71 : memref<1xi32, #tpu.memory_space<vmem>>) semaphore(%dma_start3A_76 : memref<!tpu.dma_semaphore, #tpu.memory_space<semaphore_mem>>)
    %dma_wait3A_77 = arith.constant 0 : i32
    %dma_wait3A_78 = tpu.memref_reshape %arg7 : memref<7x128x128xf32, #tpu.memory_space<vmem>> -> memref<7x16384xf32, #tpu.memory_space<vmem>>
    %dma_wait3A_79 = arith.constant 6 : i32
    %dma_wait3A_80 = arith.constant 0 : i32
    %dma_wait3A_81 = tpu.memref_slice %dma_wait3A_78[%dma_wait3A_79, %dma_wait3A_80] : memref<7x16384xf32, #tpu.memory_space<vmem>> -> memref<1x16384xf32, #tpu.memory_space<vmem>>
    %dma_wait3A_82 = arith.constant 0 : i32
    %dma_wait3A_83 = tpu.memref_slice %arg6[%dma_wait3A_82] : memref<16xi32, #tpu.memory_space<vmem>> -> memref<1xi32, #tpu.memory_space<vmem>>
    %dma_wait3A_84 = arith.constant 0 : i32
    %dma_wait3A_85 = arith.constant 0 : i32
    %dma_wait3A_86 = tpu.memref_slice %arg2[%dma_wait3A_84, %dma_wait3A_85] : memref<1000x16384xf32, #tpu.memory_space<hbm>> -> memref<1000x16384xf32, #tpu.memory_space<hbm>>
    %dma_wait3A_87 = tpu.memref_slice %arg8[%dma_wait3A_77] : memref<2x!tpu.dma_semaphore, #tpu.memory_space<semaphore_mem>> -> memref<1x!tpu.dma_semaphore, #tpu.memory_space<semaphore_mem>>
    %dma_wait3A_88 = tpu.memref_squeeze %dma_wait3A_87 : memref<1x!tpu.dma_semaphore, #tpu.memory_space<semaphore_mem>> -> memref<!tpu.dma_semaphore, #tpu.memory_space<semaphore_mem>>
    tpu.wait_indirect_dma semaphore(%dma_wait3A_88 : memref<!tpu.dma_semaphore, #tpu.memory_space<semaphore_mem>>) src(%dma_wait3A_86 : memref<1000x16384xf32, #tpu.memory_space<hbm>>) dst(%dma_wait3A_81 : memref<1x16384xf32, #tpu.memory_space<vmem>>)
    %add3A_89 = arith.constant 0 : i32
    %add3A_90 = arith.addi %mul3A_2, %add3A_89 : i32
    %mul3A_91 = arith.constant 4 : i32
    %mul3A_92 = arith.muli %mul3A_91, %add3A_90 : i32
    %dma_start3A_93 = arith.constant 0 : i32
    %dma_start3A_94 = arith.constant 6 : i32
    %dma_start3A_95 = arith.constant 0 : i32
    %dma_start3A_96 = arith.constant 0 : i32
    %dma_start3A_97 = tpu.memref_slice %arg7[%dma_start3A_94, %dma_start3A_95, %dma_start3A_96] : memref<7x128x128xf32, #tpu.memory_space<vmem>> -> memref<1x128x128xf32, #tpu.memory_space<vmem>>
    %dma_start3A_98 = tpu.memref_reshape %arg5 : memref<64x4x128x128xf32, #tpu.memory_space<hbm>> -> memref<256x128x128xf32, #tpu.memory_space<hbm>>
    %dma_start3A_99 = arith.constant 0 : i32
    %dma_start3A_100 = arith.constant 0 : i32
    %dma_start3A_101 = tpu.memref_slice %dma_start3A_98[%mul3A_92, %dma_start3A_99, %dma_start3A_100] : memref<256x128x128xf32, #tpu.memory_space<hbm>> -> memref<1x128x128xf32, #tpu.memory_space<hbm>>
    %dma_start3A_102 = tpu.memref_slice %arg10[%dma_start3A_93] : memref<4x!tpu.dma_semaphore, #tpu.memory_space<semaphore_mem>> -> memref<1x!tpu.dma_semaphore, #tpu.memory_space<semaphore_mem>>
    %dma_start3A_103 = tpu.memref_squeeze %dma_start3A_102 : memref<1x!tpu.dma_semaphore, #tpu.memory_space<semaphore_mem>> -> memref<!tpu.dma_semaphore, #tpu.memory_space<semaphore_mem>>
    %dma_start3A_104 = tpu.memref_reshape %arg5 : memref<64x4x128x128xf32, #tpu.memory_space<hbm>> -> memref<256x128x128xf32, #tpu.memory_space<hbm>>
    %dma_start3A_105 = arith.constant 0 : i32
    %dma_start3A_106 = arith.constant 0 : i32
    %dma_start3A_107 = tpu.memref_slice %dma_start3A_104[%mul3A_92, %dma_start3A_105, %dma_start3A_106] : memref<256x128x128xf32, #tpu.memory_space<hbm>> -> memref<1x128x128xf32, #tpu.memory_space<hbm>>
    %dma_start3A_108 = arith.constant 6 : i32
    %dma_start3A_109 = arith.constant 0 : i32
    %dma_start3A_110 = arith.constant 0 : i32
    %dma_start3A_111 = tpu.memref_slice %arg7[%dma_start3A_108, %dma_start3A_109, %dma_start3A_110] : memref<7x128x128xf32, #tpu.memory_space<vmem>> -> memref<1x128x128xf32, #tpu.memory_space<vmem>>
    tpu.enqueue_dma source(%dma_start3A_111 : memref<1x128x128xf32, #tpu.memory_space<vmem>>) target(%dma_start3A_107 : memref<1x128x128xf32, #tpu.memory_space<hbm>>) target_semaphore(%dma_start3A_103 : memref<!tpu.dma_semaphore, #tpu.memory_space<semaphore_mem>>)
    %dma_wait3A_112 = arith.constant 0 : i32
    %dma_wait3A_113 = arith.constant 6 : i32
    %dma_wait3A_114 = arith.constant 0 : i32
    %dma_wait3A_115 = arith.constant 0 : i32
    %dma_wait3A_116 = tpu.memref_slice %arg7[%dma_wait3A_113, %dma_wait3A_114, %dma_wait3A_115] : memref<7x128x128xf32, #tpu.memory_space<vmem>> -> memref<1x128x128xf32, #tpu.memory_space<vmem>>
    %dma_wait3A_117 = tpu.memref_reshape %arg5 : memref<64x4x128x128xf32, #tpu.memory_space<hbm>> -> memref<256x128x128xf32, #tpu.memory_space<hbm>>
    %dma_wait3A_118 = arith.constant 0 : i32
    %dma_wait3A_119 = arith.constant 0 : i32
    %dma_wait3A_120 = tpu.memref_slice %dma_wait3A_117[%mul3A_92, %dma_wait3A_118, %dma_wait3A_119] : memref<256x128x128xf32, #tpu.memory_space<hbm>> -> memref<1x128x128xf32, #tpu.memory_space<hbm>>
    %dma_wait3A_121 = tpu.memref_slice %arg10[%dma_wait3A_112] : memref<4x!tpu.dma_semaphore, #tpu.memory_space<semaphore_mem>> -> memref<1x!tpu.dma_semaphore, #tpu.memory_space<semaphore_mem>>
    %dma_wait3A_122 = tpu.memref_squeeze %dma_wait3A_121 : memref<1x!tpu.dma_semaphore, #tpu.memory_space<semaphore_mem>> -> memref<!tpu.dma_semaphore, #tpu.memory_space<semaphore_mem>>
    %dma_wait3A_123 = tpu.memref_reshape %arg5 : memref<64x4x128x128xf32, #tpu.memory_space<hbm>> -> memref<256x128x128xf32, #tpu.memory_space<hbm>>
    %dma_wait3A_124 = arith.constant 0 : i32
    %dma_wait3A_125 = arith.constant 0 : i32
    %dma_wait3A_126 = tpu.memref_slice %dma_wait3A_123[%mul3A_92, %dma_wait3A_124, %dma_wait3A_125] : memref<256x128x128xf32, #tpu.memory_space<hbm>> -> memref<1x128x128xf32, #tpu.memory_space<hbm>>
    %dma_wait3A_127 = arith.constant 6 : i32
    %dma_wait3A_128 = arith.constant 0 : i32
    %dma_wait3A_129 = arith.constant 0 : i32
    %dma_wait3A_130 = tpu.memref_slice %arg7[%dma_wait3A_127, %dma_wait3A_128, %dma_wait3A_129] : memref<7x128x128xf32, #tpu.memory_space<vmem>> -> memref<1x128x128xf32, #tpu.memory_space<vmem>>
    tpu.wait_dma2 semaphore(%dma_wait3A_122 : memref<!tpu.dma_semaphore, #tpu.memory_space<semaphore_mem>>) src(%dma_wait3A_130 : memref<1x128x128xf32, #tpu.memory_space<vmem>>) dst(%dma_wait3A_126 : memref<1x128x128xf32, #tpu.memory_space<hbm>>)
    %dma_wait3A_131 = arith.constant 0 : i32
    %dma_wait3A_132 = arith.constant 0 : i32
    %dma_wait3A_133 = arith.constant 0 : i32
    %dma_wait3A_134 = arith.constant 0 : i32
    %dma_wait3A_135 = tpu.memref_slice %arg7[%dma_wait3A_132, %dma_wait3A_133, %dma_wait3A_134] : memref<7x128x128xf32, #tpu.memory_space<vmem>> -> memref<3x128x128xf32, #tpu.memory_space<vmem>>
    %dma_wait3A_136 = tpu.memref_reshape %arg4 : memref<64x3x128x128xf32, #tpu.memory_space<hbm>> -> memref<192x128x128xf32, #tpu.memory_space<hbm>>
    %dma_wait3A_137 = arith.constant 0 : i32
    %dma_wait3A_138 = arith.constant 0 : i32
    %dma_wait3A_139 = tpu.memref_slice %dma_wait3A_136[%mul3A_14, %dma_wait3A_137, %dma_wait3A_138] : memref<192x128x128xf32, #tpu.memory_space<hbm>> -> memref<3x128x128xf32, #tpu.memory_space<hbm>>
    %dma_wait3A_140 = tpu.memref_slice %arg9[%dma_wait3A_131] : memref<3x!tpu.dma_semaphore, #tpu.memory_space<semaphore_mem>> -> memref<1x!tpu.dma_semaphore, #tpu.memory_space<semaphore_mem>>
    %dma_wait3A_141 = tpu.memref_squeeze %dma_wait3A_140 : memref<1x!tpu.dma_semaphore, #tpu.memory_space<semaphore_mem>> -> memref<!tpu.dma_semaphore, #tpu.memory_space<semaphore_mem>>
    %dma_wait3A_142 = arith.constant 0 : i32
    %dma_wait3A_143 = arith.constant 0 : i32
    %dma_wait3A_144 = arith.constant 0 : i32
    %dma_wait3A_145 = tpu.memref_slice %arg7[%dma_wait3A_142, %dma_wait3A_143, %dma_wait3A_144] : memref<7x128x128xf32, #tpu.memory_space<vmem>> -> memref<3x128x128xf32, #tpu.memory_space<vmem>>
    %dma_wait3A_146 = tpu.memref_reshape %arg4 : memref<64x3x128x128xf32, #tpu.memory_space<hbm>> -> memref<192x128x128xf32, #tpu.memory_space<hbm>>
    %dma_wait3A_147 = arith.constant 0 : i32
    %dma_wait3A_148 = arith.constant 0 : i32
    %dma_wait3A_149 = tpu.memref_slice %dma_wait3A_146[%mul3A_14, %dma_wait3A_147, %dma_wait3A_148] : memref<192x128x128xf32, #tpu.memory_space<hbm>> -> memref<3x128x128xf32, #tpu.memory_space<hbm>>
    tpu.wait_dma2 semaphore(%dma_wait3A_141 : memref<!tpu.dma_semaphore, #tpu.memory_space<semaphore_mem>>) src(%dma_wait3A_149 : memref<3x128x128xf32, #tpu.memory_space<hbm>>) dst(%dma_wait3A_145 : memref<3x128x128xf32, #tpu.memory_space<vmem>>)
    %add3A_150 = arith.constant 0 : i32
    %add3A_151 = arith.addi %mul3A_2, %add3A_150 : i32
    %mul3A_152 = arith.constant 4 : i32
    %mul3A_153 = arith.muli %mul3A_152, %add3A_151 : i32
    %add3A_154 = arith.constant 1 : i32
    %add3A_155 = arith.addi %mul3A_153, %add3A_154 : i32
    %dma_start3A_156 = arith.constant 2 : i32
    %dma_start3A_157 = arith.constant 0 : i32
    %dma_start3A_158 = arith.constant 0 : i32
    %dma_start3A_159 = arith.constant 0 : i32
    %dma_start3A_160 = tpu.memref_slice %arg7[%dma_start3A_157, %dma_start3A_158, %dma_start3A_159] : memref<7x128x128xf32, #tpu.memory_space<vmem>> -> memref<3x128x128xf32, #tpu.memory_space<vmem>>
    %dma_start3A_161 = tpu.memref_reshape %arg5 : memref<64x4x128x128xf32, #tpu.memory_space<hbm>> -> memref<256x128x128xf32, #tpu.memory_space<hbm>>
    %dma_start3A_162 = arith.constant 0 : i32
    %dma_start3A_163 = arith.constant 0 : i32
    %dma_start3A_164 = tpu.memref_slice %dma_start3A_161[%add3A_155, %dma_start3A_162, %dma_start3A_163] : memref<256x128x128xf32, #tpu.memory_space<hbm>> -> memref<3x128x128xf32, #tpu.memory_space<hbm>>
    %dma_start3A_165 = tpu.memref_slice %arg10[%dma_start3A_156] : memref<4x!tpu.dma_semaphore, #tpu.memory_space<semaphore_mem>> -> memref<1x!tpu.dma_semaphore, #tpu.memory_space<semaphore_mem>>
    %dma_start3A_166 = tpu.memref_squeeze %dma_start3A_165 : memref<1x!tpu.dma_semaphore, #tpu.memory_space<semaphore_mem>> -> memref<!tpu.dma_semaphore, #tpu.memory_space<semaphore_mem>>
    %dma_start3A_167 = tpu.memref_reshape %arg5 : memref<64x4x128x128xf32, #tpu.memory_space<hbm>> -> memref<256x128x128xf32, #tpu.memory_space<hbm>>
    %dma_start3A_168 = arith.constant 0 : i32
    %dma_start3A_169 = arith.constant 0 : i32
    %dma_start3A_170 = tpu.memref_slice %dma_start3A_167[%add3A_155, %dma_start3A_168, %dma_start3A_169] : memref<256x128x128xf32, #tpu.memory_space<hbm>> -> memref<3x128x128xf32, #tpu.memory_space<hbm>>
    %dma_start3A_171 = arith.constant 0 : i32
    %dma_start3A_172 = arith.constant 0 : i32
    %dma_start3A_173 = arith.constant 0 : i32
    %dma_start3A_174 = tpu.memref_slice %arg7[%dma_start3A_171, %dma_start3A_172, %dma_start3A_173] : memref<7x128x128xf32, #tpu.memory_space<vmem>> -> memref<3x128x128xf32, #tpu.memory_space<vmem>>
    tpu.enqueue_dma source(%dma_start3A_174 : memref<3x128x128xf32, #tpu.memory_space<vmem>>) target(%dma_start3A_170 : memref<3x128x128xf32, #tpu.memory_space<hbm>>) target_semaphore(%dma_start3A_166 : memref<!tpu.dma_semaphore, #tpu.memory_space<semaphore_mem>>)
    %dma_start3A_175 = arith.constant 1 : i32
    %dma_start3A_176 = tpu.memref_reshape %arg7 : memref<7x128x128xf32, #tpu.memory_space<vmem>> -> memref<7x16384xf32, #tpu.memory_space<vmem>>
    %dma_start3A_177 = arith.constant 6 : i32
    %dma_start3A_178 = arith.constant 0 : i32
    %dma_start3A_179 = tpu.memref_slice %dma_start3A_176[%dma_start3A_177, %dma_start3A_178] : memref<7x16384xf32, #tpu.memory_space<vmem>> -> memref<1x16384xf32, #tpu.memory_space<vmem>>
    %dma_start3A_180 = arith.constant 8 : i32
    %dma_start3A_181 = tpu.memref_slice %arg6[%dma_start3A_180] : memref<16xi32, #tpu.memory_space<vmem>> -> memref<1xi32, #tpu.memory_space<vmem>>
    %dma_start3A_182 = arith.constant 0 : i32
    %dma_start3A_183 = arith.constant 0 : i32
    %dma_start3A_184 = tpu.memref_slice %arg2[%dma_start3A_182, %dma_start3A_183] : memref<1000x16384xf32, #tpu.memory_space<hbm>> -> memref<1000x16384xf32, #tpu.memory_space<hbm>>
    %dma_start3A_185 = tpu.memref_slice %arg8[%dma_start3A_175] : memref<2x!tpu.dma_semaphore, #tpu.memory_space<semaphore_mem>> -> memref<1x!tpu.dma_semaphore, #tpu.memory_space<semaphore_mem>>
    %dma_start3A_186 = tpu.memref_squeeze %dma_start3A_185 : memref<1x!tpu.dma_semaphore, #tpu.memory_space<semaphore_mem>> -> memref<!tpu.dma_semaphore, #tpu.memory_space<semaphore_mem>>
    tpu.enqueue_indirect_dma source(%dma_start3A_184 : memref<1000x16384xf32, #tpu.memory_space<hbm>>) target(%dma_start3A_179 : memref<1x16384xf32, #tpu.memory_space<vmem>>) offsets(%dma_start3A_181 : memref<1xi32, #tpu.memory_space<vmem>>) semaphore(%dma_start3A_186 : memref<!tpu.dma_semaphore, #tpu.memory_space<semaphore_mem>>)
    %dma_wait3A_187 = arith.constant 1 : i32
    %dma_wait3A_188 = tpu.memref_reshape %arg7 : memref<7x128x128xf32, #tpu.memory_space<vmem>> -> memref<7x16384xf32, #tpu.memory_space<vmem>>
    %dma_wait3A_189 = arith.constant 6 : i32
    %dma_wait3A_190 = arith.constant 0 : i32
    %dma_wait3A_191 = tpu.memref_slice %dma_wait3A_188[%dma_wait3A_189, %dma_wait3A_190] : memref<7x16384xf32, #tpu.memory_space<vmem>> -> memref<1x16384xf32, #tpu.memory_space<vmem>>
    %dma_wait3A_192 = arith.constant 8 : i32
    %dma_wait3A_193 = tpu.memref_slice %arg6[%dma_wait3A_192] : memref<16xi32, #tpu.memory_space<vmem>> -> memref<1xi32, #tpu.memory_space<vmem>>
    %dma_wait3A_194 = arith.constant 0 : i32
    %dma_wait3A_195 = arith.constant 0 : i32
    %dma_wait3A_196 = tpu.memref_slice %arg2[%dma_wait3A_194, %dma_wait3A_195] : memref<1000x16384xf32, #tpu.memory_space<hbm>> -> memref<1000x16384xf32, #tpu.memory_space<hbm>>
    %dma_wait3A_197 = tpu.memref_slice %arg8[%dma_wait3A_187] : memref<2x!tpu.dma_semaphore, #tpu.memory_space<semaphore_mem>> -> memref<1x!tpu.dma_semaphore, #tpu.memory_space<semaphore_mem>>
    %dma_wait3A_198 = tpu.memref_squeeze %dma_wait3A_197 : memref<1x!tpu.dma_semaphore, #tpu.memory_space<semaphore_mem>> -> memref<!tpu.dma_semaphore, #tpu.memory_space<semaphore_mem>>
    tpu.wait_indirect_dma semaphore(%dma_wait3A_198 : memref<!tpu.dma_semaphore, #tpu.memory_space<semaphore_mem>>) src(%dma_wait3A_196 : memref<1000x16384xf32, #tpu.memory_space<hbm>>) dst(%dma_wait3A_191 : memref<1x16384xf32, #tpu.memory_space<vmem>>)
    %add3A_199 = arith.constant 1 : i32
    %add3A_200 = arith.addi %mul3A_2, %add3A_199 : i32
    %mul3A_201 = arith.constant 4 : i32
    %mul3A_202 = arith.muli %mul3A_201, %add3A_200 : i32
    %dma_start3A_203 = arith.constant 1 : i32
    %dma_start3A_204 = arith.constant 6 : i32
    %dma_start3A_205 = arith.constant 0 : i32
    %dma_start3A_206 = arith.constant 0 : i32
    %dma_start3A_207 = tpu.memref_slice %arg7[%dma_start3A_204, %dma_start3A_205, %dma_start3A_206] : memref<7x128x128xf32, #tpu.memory_space<vmem>> -> memref<1x128x128xf32, #tpu.memory_space<vmem>>
    %dma_start3A_208 = tpu.memref_reshape %arg5 : memref<64x4x128x128xf32, #tpu.memory_space<hbm>> -> memref<256x128x128xf32, #tpu.memory_space<hbm>>
    %dma_start3A_209 = arith.constant 0 : i32
    %dma_start3A_210 = arith.constant 0 : i32
    %dma_start3A_211 = tpu.memref_slice %dma_start3A_208[%mul3A_202, %dma_start3A_209, %dma_start3A_210] : memref<256x128x128xf32, #tpu.memory_space<hbm>> -> memref<1x128x128xf32, #tpu.memory_space<hbm>>
    %dma_start3A_212 = tpu.memref_slice %arg10[%dma_start3A_203] : memref<4x!tpu.dma_semaphore, #tpu.memory_space<semaphore_mem>> -> memref<1x!tpu.dma_semaphore, #tpu.memory_space<semaphore_mem>>
    %dma_start3A_213 = tpu.memref_squeeze %dma_start3A_212 : memref<1x!tpu.dma_semaphore, #tpu.memory_space<semaphore_mem>> -> memref<!tpu.dma_semaphore, #tpu.memory_space<semaphore_mem>>
    %dma_start3A_214 = tpu.memref_reshape %arg5 : memref<64x4x128x128xf32, #tpu.memory_space<hbm>> -> memref<256x128x128xf32, #tpu.memory_space<hbm>>
    %dma_start3A_215 = arith.constant 0 : i32
    %dma_start3A_216 = arith.constant 0 : i32
    %dma_start3A_217 = tpu.memref_slice %dma_start3A_214[%mul3A_202, %dma_start3A_215, %dma_start3A_216] : memref<256x128x128xf32, #tpu.memory_space<hbm>> -> memref<1x128x128xf32, #tpu.memory_space<hbm>>
    %dma_start3A_218 = arith.constant 6 : i32
    %dma_start3A_219 = arith.constant 0 : i32
    %dma_start3A_220 = arith.constant 0 : i32
    %dma_start3A_221 = tpu.memref_slice %arg7[%dma_start3A_218, %dma_start3A_219, %dma_start3A_220] : memref<7x128x128xf32, #tpu.memory_space<vmem>> -> memref<1x128x128xf32, #tpu.memory_space<vmem>>
    tpu.enqueue_dma source(%dma_start3A_221 : memref<1x128x128xf32, #tpu.memory_space<vmem>>) target(%dma_start3A_217 : memref<1x128x128xf32, #tpu.memory_space<hbm>>) target_semaphore(%dma_start3A_213 : memref<!tpu.dma_semaphore, #tpu.memory_space<semaphore_mem>>)
    %dma_wait3A_222 = arith.constant 1 : i32
    %dma_wait3A_223 = arith.constant 3 : i32
    %dma_wait3A_224 = arith.constant 0 : i32
    %dma_wait3A_225 = arith.constant 0 : i32
    %dma_wait3A_226 = tpu.memref_slice %arg7[%dma_wait3A_223, %dma_wait3A_224, %dma_wait3A_225] : memref<7x128x128xf32, #tpu.memory_space<vmem>> -> memref<3x128x128xf32, #tpu.memory_space<vmem>>
    %dma_wait3A_227 = tpu.memref_reshape %arg4 : memref<64x3x128x128xf32, #tpu.memory_space<hbm>> -> memref<192x128x128xf32, #tpu.memory_space<hbm>>
    %dma_wait3A_228 = arith.constant 0 : i32
    %dma_wait3A_229 = arith.constant 0 : i32
    %dma_wait3A_230 = tpu.memref_slice %dma_wait3A_227[%mul3A_37, %dma_wait3A_228, %dma_wait3A_229] : memref<192x128x128xf32, #tpu.memory_space<hbm>> -> memref<3x128x128xf32, #tpu.memory_space<hbm>>
    %dma_wait3A_231 = tpu.memref_slice %arg9[%dma_wait3A_222] : memref<3x!tpu.dma_semaphore, #tpu.memory_space<semaphore_mem>> -> memref<1x!tpu.dma_semaphore, #tpu.memory_space<semaphore_mem>>
    %dma_wait3A_232 = tpu.memref_squeeze %dma_wait3A_231 : memref<1x!tpu.dma_semaphore, #tpu.memory_space<semaphore_mem>> -> memref<!tpu.dma_semaphore, #tpu.memory_space<semaphore_mem>>
    %dma_wait3A_233 = arith.constant 3 : i32
    %dma_wait3A_234 = arith.constant 0 : i32
    %dma_wait3A_235 = arith.constant 0 : i32
    %dma_wait3A_236 = tpu.memref_slice %arg7[%dma_wait3A_233, %dma_wait3A_234, %dma_wait3A_235] : memref<7x128x128xf32, #tpu.memory_space<vmem>> -> memref<3x128x128xf32, #tpu.memory_space<vmem>>
    %dma_wait3A_237 = tpu.memref_reshape %arg4 : memref<64x3x128x128xf32, #tpu.memory_space<hbm>> -> memref<192x128x128xf32, #tpu.memory_space<hbm>>
    %dma_wait3A_238 = arith.constant 0 : i32
    %dma_wait3A_239 = arith.constant 0 : i32
    %dma_wait3A_240 = tpu.memref_slice %dma_wait3A_237[%mul3A_37, %dma_wait3A_238, %dma_wait3A_239] : memref<192x128x128xf32, #tpu.memory_space<hbm>> -> memref<3x128x128xf32, #tpu.memory_space<hbm>>
    tpu.wait_dma2 semaphore(%dma_wait3A_232 : memref<!tpu.dma_semaphore, #tpu.memory_space<semaphore_mem>>) src(%dma_wait3A_240 : memref<3x128x128xf32, #tpu.memory_space<hbm>>) dst(%dma_wait3A_236 : memref<3x128x128xf32, #tpu.memory_space<vmem>>)
    %add3A_241 = arith.constant 1 : i32
    %add3A_242 = arith.addi %mul3A_2, %add3A_241 : i32
    %mul3A_243 = arith.constant 4 : i32
    %mul3A_244 = arith.muli %mul3A_243, %add3A_242 : i32
    %add3A_245 = arith.constant 1 : i32
    %add3A_246 = arith.addi %mul3A_244, %add3A_245 : i32
    %dma_start3A_247 = arith.constant 3 : i32
    %dma_start3A_248 = arith.constant 3 : i32
    %dma_start3A_249 = arith.constant 0 : i32
    %dma_start3A_250 = arith.constant 0 : i32
    %dma_start3A_251 = tpu.memref_slice %arg7[%dma_start3A_248, %dma_start3A_249, %dma_start3A_250] : memref<7x128x128xf32, #tpu.memory_space<vmem>> -> memref<3x128x128xf32, #tpu.memory_space<vmem>>
    %dma_start3A_252 = tpu.memref_reshape %arg5 : memref<64x4x128x128xf32, #tpu.memory_space<hbm>> -> memref<256x128x128xf32, #tpu.memory_space<hbm>>
    %dma_start3A_253 = arith.constant 0 : i32
    %dma_start3A_254 = arith.constant 0 : i32
    %dma_start3A_255 = tpu.memref_slice %dma_start3A_252[%add3A_246, %dma_start3A_253, %dma_start3A_254] : memref<256x128x128xf32, #tpu.memory_space<hbm>> -> memref<3x128x128xf32, #tpu.memory_space<hbm>>
    %dma_start3A_256 = tpu.memref_slice %arg10[%dma_start3A_247] : memref<4x!tpu.dma_semaphore, #tpu.memory_space<semaphore_mem>> -> memref<1x!tpu.dma_semaphore, #tpu.memory_space<semaphore_mem>>
    %dma_start3A_257 = tpu.memref_squeeze %dma_start3A_256 : memref<1x!tpu.dma_semaphore, #tpu.memory_space<semaphore_mem>> -> memref<!tpu.dma_semaphore, #tpu.memory_space<semaphore_mem>>
    %dma_start3A_258 = tpu.memref_reshape %arg5 : memref<64x4x128x128xf32, #tpu.memory_space<hbm>> -> memref<256x128x128xf32, #tpu.memory_space<hbm>>
    %dma_start3A_259 = arith.constant 0 : i32
    %dma_start3A_260 = arith.constant 0 : i32
    %dma_start3A_261 = tpu.memref_slice %dma_start3A_258[%add3A_246, %dma_start3A_259, %dma_start3A_260] : memref<256x128x128xf32, #tpu.memory_space<hbm>> -> memref<3x128x128xf32, #tpu.memory_space<hbm>>
    %dma_start3A_262 = arith.constant 3 : i32
    %dma_start3A_263 = arith.constant 0 : i32
    %dma_start3A_264 = arith.constant 0 : i32
    %dma_start3A_265 = tpu.memref_slice %arg7[%dma_start3A_262, %dma_start3A_263, %dma_start3A_264] : memref<7x128x128xf32, #tpu.memory_space<vmem>> -> memref<3x128x128xf32, #tpu.memory_space<vmem>>
    tpu.enqueue_dma source(%dma_start3A_265 : memref<3x128x128xf32, #tpu.memory_space<vmem>>) target(%dma_start3A_261 : memref<3x128x128xf32, #tpu.memory_space<hbm>>) target_semaphore(%dma_start3A_257 : memref<!tpu.dma_semaphore, #tpu.memory_space<semaphore_mem>>)
    %dma_wait3A_266 = arith.constant 2 : i32
    %dma_wait3A_267 = arith.constant 0 : i32
    %dma_wait3A_268 = arith.constant 0 : i32
    %dma_wait3A_269 = arith.constant 0 : i32
    %dma_wait3A_270 = tpu.memref_slice %arg7[%dma_wait3A_267, %dma_wait3A_268, %dma_wait3A_269] : memref<7x128x128xf32, #tpu.memory_space<vmem>> -> memref<3x128x128xf32, #tpu.memory_space<vmem>>
    %dma_wait3A_271 = tpu.memref_reshape %arg5 : memref<64x4x128x128xf32, #tpu.memory_space<hbm>> -> memref<256x128x128xf32, #tpu.memory_space<hbm>>
    %dma_wait3A_272 = arith.constant 0 : i32
    %dma_wait3A_273 = arith.constant 0 : i32
    %dma_wait3A_274 = tpu.memref_slice %dma_wait3A_271[%add3A_155, %dma_wait3A_272, %dma_wait3A_273] : memref<256x128x128xf32, #tpu.memory_space<hbm>> -> memref<3x128x128xf32, #tpu.memory_space<hbm>>
    %dma_wait3A_275 = tpu.memref_slice %arg10[%dma_wait3A_266] : memref<4x!tpu.dma_semaphore, #tpu.memory_space<semaphore_mem>> -> memref<1x!tpu.dma_semaphore, #tpu.memory_space<semaphore_mem>>
    %dma_wait3A_276 = tpu.memref_squeeze %dma_wait3A_275 : memref<1x!tpu.dma_semaphore, #tpu.memory_space<semaphore_mem>> -> memref<!tpu.dma_semaphore, #tpu.memory_space<semaphore_mem>>
    %dma_wait3A_277 = tpu.memref_reshape %arg5 : memref<64x4x128x128xf32, #tpu.memory_space<hbm>> -> memref<256x128x128xf32, #tpu.memory_space<hbm>>
    %dma_wait3A_278 = arith.constant 0 : i32
    %dma_wait3A_279 = arith.constant 0 : i32
    %dma_wait3A_280 = tpu.memref_slice %dma_wait3A_277[%add3A_155, %dma_wait3A_278, %dma_wait3A_279] : memref<256x128x128xf32, #tpu.memory_space<hbm>> -> memref<3x128x128xf32, #tpu.memory_space<hbm>>
    %dma_wait3A_281 = arith.constant 0 : i32
    %dma_wait3A_282 = arith.constant 0 : i32
    %dma_wait3A_283 = arith.constant 0 : i32
    %dma_wait3A_284 = tpu.memref_slice %arg7[%dma_wait3A_281, %dma_wait3A_282, %dma_wait3A_283] : memref<7x128x128xf32, #tpu.memory_space<vmem>> -> memref<3x128x128xf32, #tpu.memory_space<vmem>>
    tpu.wait_dma2 semaphore(%dma_wait3A_276 : memref<!tpu.dma_semaphore, #tpu.memory_space<semaphore_mem>>) src(%dma_wait3A_284 : memref<3x128x128xf32, #tpu.memory_space<vmem>>) dst(%dma_wait3A_280 : memref<3x128x128xf32, #tpu.memory_space<hbm>>)
    %dma_wait3A_285 = arith.constant 3 : i32
    %dma_wait3A_286 = arith.constant 3 : i32
    %dma_wait3A_287 = arith.constant 0 : i32
    %dma_wait3A_288 = arith.constant 0 : i32
    %dma_wait3A_289 = tpu.memref_slice %arg7[%dma_wait3A_286, %dma_wait3A_287, %dma_wait3A_288] : memref<7x128x128xf32, #tpu.memory_space<vmem>> -> memref<3x128x128xf32, #tpu.memory_space<vmem>>
    %dma_wait3A_290 = tpu.memref_reshape %arg5 : memref<64x4x128x128xf32, #tpu.memory_space<hbm>> -> memref<256x128x128xf32, #tpu.memory_space<hbm>>
    %dma_wait3A_291 = arith.constant 0 : i32
    %dma_wait3A_292 = arith.constant 0 : i32
    %dma_wait3A_293 = tpu.memref_slice %dma_wait3A_290[%add3A_246, %dma_wait3A_291, %dma_wait3A_292] : memref<256x128x128xf32, #tpu.memory_space<hbm>> -> memref<3x128x128xf32, #tpu.memory_space<hbm>>
    %dma_wait3A_294 = tpu.memref_slice %arg10[%dma_wait3A_285] : memref<4x!tpu.dma_semaphore, #tpu.memory_space<semaphore_mem>> -> memref<1x!tpu.dma_semaphore, #tpu.memory_space<semaphore_mem>>
    %dma_wait3A_295 = tpu.memref_squeeze %dma_wait3A_294 : memref<1x!tpu.dma_semaphore, #tpu.memory_space<semaphore_mem>> -> memref<!tpu.dma_semaphore, #tpu.memory_space<semaphore_mem>>
    %dma_wait3A_296 = tpu.memref_reshape %arg5 : memref<64x4x128x128xf32, #tpu.memory_space<hbm>> -> memref<256x128x128xf32, #tpu.memory_space<hbm>>
    %dma_wait3A_297 = arith.constant 0 : i32
    %dma_wait3A_298 = arith.constant 0 : i32
    %dma_wait3A_299 = tpu.memref_slice %dma_wait3A_296[%add3A_246, %dma_wait3A_297, %dma_wait3A_298] : memref<256x128x128xf32, #tpu.memory_space<hbm>> -> memref<3x128x128xf32, #tpu.memory_space<hbm>>
    %dma_wait3A_300 = arith.constant 3 : i32
    %dma_wait3A_301 = arith.constant 0 : i32
    %dma_wait3A_302 = arith.constant 0 : i32
    %dma_wait3A_303 = tpu.memref_slice %arg7[%dma_wait3A_300, %dma_wait3A_301, %dma_wait3A_302] : memref<7x128x128xf32, #tpu.memory_space<vmem>> -> memref<3x128x128xf32, #tpu.memory_space<vmem>>
    tpu.wait_dma2 semaphore(%dma_wait3A_295 : memref<!tpu.dma_semaphore, #tpu.memory_space<semaphore_mem>>) src(%dma_wait3A_303 : memref<3x128x128xf32, #tpu.memory_space<vmem>>) dst(%dma_wait3A_299 : memref<3x128x128xf32, #tpu.memory_space<hbm>>)
    %dma_wait3A_304 = arith.constant 1 : i32
    %dma_wait3A_305 = arith.constant 6 : i32
    %dma_wait3A_306 = arith.constant 0 : i32
    %dma_wait3A_307 = arith.constant 0 : i32
    %dma_wait3A_308 = tpu.memref_slice %arg7[%dma_wait3A_305, %dma_wait3A_306, %dma_wait3A_307] : memref<7x128x128xf32, #tpu.memory_space<vmem>> -> memref<1x128x128xf32, #tpu.memory_space<vmem>>
    %dma_wait3A_309 = tpu.memref_reshape %arg5 : memref<64x4x128x128xf32, #tpu.memory_space<hbm>> -> memref<256x128x128xf32, #tpu.memory_space<hbm>>
    %dma_wait3A_310 = arith.constant 0 : i32
    %dma_wait3A_311 = arith.constant 0 : i32
    %dma_wait3A_312 = tpu.memref_slice %dma_wait3A_309[%mul3A_202, %dma_wait3A_310, %dma_wait3A_311] : memref<256x128x128xf32, #tpu.memory_space<hbm>> -> memref<1x128x128xf32, #tpu.memory_space<hbm>>
    %dma_wait3A_313 = tpu.memref_slice %arg10[%dma_wait3A_304] : memref<4x!tpu.dma_semaphore, #tpu.memory_space<semaphore_mem>> -> memref<1x!tpu.dma_semaphore, #tpu.memory_space<semaphore_mem>>
    %dma_wait3A_314 = tpu.memref_squeeze %dma_wait3A_313 : memref<1x!tpu.dma_semaphore, #tpu.memory_space<semaphore_mem>> -> memref<!tpu.dma_semaphore, #tpu.memory_space<semaphore_mem>>
    %dma_wait3A_315 = tpu.memref_reshape %arg5 : memref<64x4x128x128xf32, #tpu.memory_space<hbm>> -> memref<256x128x128xf32, #tpu.memory_space<hbm>>
    %dma_wait3A_316 = arith.constant 0 : i32
    %dma_wait3A_317 = arith.constant 0 : i32
    %dma_wait3A_318 = tpu.memref_slice %dma_wait3A_315[%mul3A_202, %dma_wait3A_316, %dma_wait3A_317] : memref<256x128x128xf32, #tpu.memory_space<hbm>> -> memref<1x128x128xf32, #tpu.memory_space<hbm>>
    %dma_wait3A_319 = arith.constant 6 : i32
    %dma_wait3A_320 = arith.constant 0 : i32
    %dma_wait3A_321 = arith.constant 0 : i32
    %dma_wait3A_322 = tpu.memref_slice %arg7[%dma_wait3A_319, %dma_wait3A_320, %dma_wait3A_321] : memref<7x128x128xf32, #tpu.memory_space<vmem>> -> memref<1x128x128xf32, #tpu.memory_space<vmem>>
    tpu.wait_dma2 semaphore(%dma_wait3A_314 : memref<!tpu.dma_semaphore, #tpu.memory_space<semaphore_mem>>) src(%dma_wait3A_322 : memref<1x128x128xf32, #tpu.memory_space<vmem>>) dst(%dma_wait3A_318 : memref<1x128x128xf32, #tpu.memory_space<hbm>>)
    return
  }
}

</mosaic_0001>

<sc_bundles>
// kernel: kernel.3.cloned.1.call-start
scs
__scs_entry_jumppad:
0x0: {  	(pc) =	sbr.rel $0x88, $3  }
0x1: {  	(tag) =	ssettag $0x0;
	lr =	simm.s32 $0x1  }
0x2: {  	[smem:$0x3F9E] =	sst lr;
	_ =	strace $0xD0000000  }
0x3: {  	_ = 	snop  }
0x4: {  	_ = 	snop  }
0x5: {  	_ = 	snop  }
0x6: {  	_ = 	snop  }
0x7: {  	_ = 	snop  }
__scs_overlays_trampoline_lowered:
0x8: {  	[smem:$0x3FAD] =	sst s0  }
0x9: {  	[smem:$0x3FAE] =	sst s1  }
0xa: {  	[smem:$0x3FAF] =	sst s2  }
0xb: {  	[smem:$0x3FB0] =	sst s3  }
0xc: {  	[smem:$0x3FB1] =	sst s4  }
0xd: {  	[smem:$0x3FB2] =	sst s5  }
0xe: {  	[smem:$0x3FB3] =	sst s6  }
0xf: {  	[smem:$0x3FB4] =	sst s7  }
0x10: {  	[smem:$0x3FB5] =	sst s8  }
0x11: {  	[smem:$0x3FB6] =	sst s9;
	s0 =	simm.s32 @!p0 $0x0  }
0x12: {  	s1 =	sld [smem:$0x3F9C];
	s0 =	simm.s32 @p0 $0x1  }
0x13: {  	[smem:$0x3FB7] =	sst s0;
	s0 =	simm.s32 @!p1 $0x0  }
0x14: {  	s2 =	sld [smem:$0x3F9B];
	s0 =	simm.s32 @p1 $0x1  }
0x15: {  	[smem:$0x3FB8] =	sst s0;
	s0 =	simm.s32 @!p2 $0x0  }
0x16: {  	s3 =	sld [smem:$0x3FDB];
	s0 =	simm.s32 @p2 $0x1  }
0x17: {  	s4 =	simm.s32 $0x1BF5;
	[smem:$0x3FBA] =	sst s0  }
0x18: {  	s0 =	sld [smem:$0x3F9D];
	_ =	swait.ge [sflag:s4], $0x0  }
0x19: {  	s7 =	sld [smem:$0x3F9E]  }
0x1a: {  	s8 =	sadd.s32 $0xFFFFE003, lr  }
0x1b: {  	s9 =	sadd.s32 $0xFFFFFEF7, lr;
	s5 =	simm.s32 $0xFFFFFFFF;
	p2 =	slt.u32 s8, $0xFFFFF086  }
0x1c: {  	p1 =	slt.u32 s9, $0xF7A;
	s5 =	simm.s32 @!p2 $0x0  }
0x1d: {  	s5 =	simm.s32 @p1 $0x1;
	p0 =	seq.s32 s7, s2  }
0x1e: {  	s7 =	smul.u32 @!p0 $0xF7A, s2;
	p2 =	seq.s32 @!p0 s5, $0x0  }
0x1f: {  	s9 =	smul.u32 $0xF7A, s1;
	s8 =	simm.s32 @!p0 $0x1BF5;
	p2 =	por !p2, p0  }
0x20: {  	[sflag:s8] =	ssyncset.s32 @!p0 $0xFFFFF086;
	s6 =	sadd.s32 @!p0 s3, s7;
	s7 =	simm.s32 @!p0 $0x108  }
0x21: {  	s3 =	sadd.s32 s3, s9;
	s6 =	sadd.s32 @!p0 $0x88, s6;
	s7 =	simm.s32 @p2 $0x1082  }
0x22: {  	[simem:s7], [sflag:s8] =	dma.local @!p0 [hbm:s6], $0xF7A  }
0x23: {  	s9 =	sor.u32 $0xD0000000, s2;
	s6 =	simm.s32 $0x108;
	_ =	swait.ge @!p0 [sflag:s8], $0x0  }
0x24: {  	s3 =	sadd.s32 $0x88, s3;
	s6 =	simm.s32 @!p1 $0x1082;
	[sflag:s4] =	ssyncset.s32 $0xFFFFF086  }
0x25: {  	[simem:s6], [sflag:s4] =	dma.local [hbm:s3], $0xF7A  }
0x26: {  	[smem:$0x3F9E] =	sst s1;
	(tag) =	ssettag s2;
	_ =	strace s9  }
0x27: {  	s1 =	sld [smem:$0x3FAE]  }
0x28: {  	s2 =	sld [smem:$0x3FAF]  }
0x29: {  	s4 =	sld [smem:$0x3FB1]  }
0x2a: {  	p0 =	seq.s32 s5, $0x0;
	s5 =	sld [smem:$0x3FB2]  }
0x2b: {  	s6 =	sld [smem:$0x3FB3]  }
0x2c: {  	s7 =	sld [smem:$0x3FB4]  }
0x2d: {  	s3 =	simm.s32 $0x108;
	s8 =	sld [smem:$0x3FB5]  }
0x2e: {  	s3 =	simm.s32 @!p0 $0x1082;
	s9 =	sld [smem:$0x3FB6]  }
0x2f: {  	lr =	sadd.s32 s0, s3;
	s0 =	sld [smem:$0x3FAD]  }
0x30: {  	s3 =	sld [smem:$0x3FB0]  }
0x31: {  	[smem:$0x3FB9] =	sst s10  }
0x32: {  	s10 =	sld [smem:$0x3FB7];
	_ =	sdelay $0x3  }
0x33: {  	p0 =	seq.s32 s10, $0x1;
	s10 =	sld [smem:$0x3FB9];
	_ =	sdelay $0x3  }
0x34: {  	[smem:$0x3FB9] =	sst s10  }
0x35: {  	s10 =	sld [smem:$0x3FB8];
	_ =	sdelay $0x3  }
0x36: {  	p1 =	seq.s32 s10, $0x1;
	s10 =	sld [smem:$0x3FB9];
	_ =	sdelay $0x3  }
0x37: {  	[smem:$0x3FB9] =	sst s10  }
0x38: {  	s10 =	sld [smem:$0x3FBA]  }
0x39: {  	_ = 	snop;
	(pc) =	sbr.ind lr, $3  }
0x3a: {  	_ = 	snop  }
0x3b: {  	_ = 	snop  }
0x3c: {  	p2 =	seq.s32 s10, $0x1;
	s10 =	sld [smem:$0x3FB9]  }
0x3d: {  	_ =	shalt  }
0x3e: {  	_ =	shalt  }
0x3f: {  	_ =	shalt  }
0x40: {  	_ =	shalt  }
0x41: {  	_ =	shalt  }
0x42: {  	_ =	shalt  }
0x43: {  	_ =	shalt  }
0x44: {  	_ =	shalt  }
0x45: {  	_ =	shalt  }
0x46: {  	_ =	shalt  }
0x47: {  	_ =	shalt  }
0x48: {  	_ =	shalt  }
0x49: {  	_ =	shalt  }
0x4a: {  	_ =	shalt  }
0x4b: {  	_ =	shalt  }
0x4c: {  	_ =	shalt  }
0x4d: {  	_ =	shalt  }
0x4e: {  	_ =	shalt  }
0x4f: {  	_ =	shalt  }
0x50: {  	_ =	shalt  }
0x51: {  	_ =	shalt  }
0x52: {  	_ =	shalt  }
0x53: {  	_ =	shalt  }
0x54: {  	_ =	shalt  }
0x55: {  	_ =	shalt  }
0x56: {  	_ =	shalt  }
0x57: {  	_ =	shalt  }
0x58: {  	_ =	shalt  }
0x59: {  	_ =	shalt  }
0x5a: {  	_ =	shalt  }
0x5b: {  	_ =	shalt  }
0x5c: {  	_ =	shalt  }
0x5d: {  	_ =	shalt  }
0x5e: {  	_ =	shalt  }
0x5f: {  	_ =	shalt  }
0x60: {  	_ =	shalt  }
0x61: {  	_ =	shalt  }
0x62: {  	_ =	shalt  }
0x63: {  	_ =	shalt  }
0x64: {  	_ =	shalt  }
0x65: {  	_ =	shalt  }
0x66: {  	_ =	shalt  }
0x67: {  	_ =	shalt  }
0x68: {  	_ =	shalt  }
0x69: {  	_ =	shalt  }
0x6a: {  	_ =	shalt  }
0x6b: {  	_ =	shalt  }
0x6c: {  	_ =	shalt  }
0x6d: {  	_ =	shalt  }
0x6e: {  	_ =	shalt  }
0x6f: {  	_ =	shalt  }
0x70: {  	_ =	shalt  }
0x71: {  	_ =	shalt  }
0x72: {  	_ =	shalt  }
0x73: {  	_ =	shalt  }
0x74: {  	_ =	shalt  }
0x75: {  	_ =	shalt  }
0x76: {  	_ =	shalt  }
0x77: {  	_ =	shalt  }
0x78: {  	_ =	shalt  }
0x79: {  	_ =	shalt  }
0x7a: {  	_ =	shalt  }
0x7b: {  	_ =	shalt  }
0x7c: {  	_ =	shalt  }
0x7d: {  	_ =	shalt  }
0x7e: {  	_ =	shalt  }
0x7f: {  	_ =	shalt  }
0x80: {  	_ =	shalt  }
0x81: {  	_ =	shalt  }
0x82: {  	_ =	shalt  }
0x83: {  	_ =	shalt  }
0x84: {  	_ =	shalt  }
0x85: {  	_ =	shalt  }
0x86: {  	_ =	shalt  }
0x87: {  	_ =	shalt  }
.Lfunc_end0:
.L_simem_size_0:
called_computation_lowered:
.L_overlay_start_0:
0x88: {  	s2 =	sld [smem:$0x3FD9]  }
0x89: {  	s3 =	sld [smem:$0x3FFE];
	_ =	sdelay $0x1  }
0x8a: {  	s1 =	srdreg.scid  }
0x8b: {  	s0 =	sand.u32 $0x1, s1  }
0x8c: {  	s17 =	sshll.u32 s0, $0xA;
	s2 =	sadd.s32 s3, s2  }
0x8d: {  	s2 =	sadd.s32 s2, s17  }
0x8e: {  	[smem:$0x3FC5] =	sst s2  }
0x8f: {  	_ = 	snop  }
0x90: {  	s2 =	sld [smem:$0x3FC8]  }
0x91: {  	s18 =	sld [smem:$0x3FC7]  }
0x92: {  	s4 =	sld [smem:$0x3FD0];
	(tm) =	ssettm $0x1  }
0x93: {  	s5 =	sld [smem:$0x3FFB];
	_ =	sdelay $0x3  }
0x94: {  	_ =	strace s5  }
0x95: {  	s5 =	sld [smem:$0x3FFC];
	_ =	sdelay $0x3  }
0x96: {  	_ =	strace s5  }
0x97: {  	s5 =	sld [smem:$0x3FFD];
	_ =	sdelay $0x3  }
0x98: {  	_ =	strace s5  }
0x99: {  	_ =	strace $0x8FFFFFFF  }
0x9a: {  	s19 =	sld [smem:$0x3FDB];
	_ =	sdelay $0x1  }
0x9b: {  	s6 =	simm.s32 $_scs_section_size  }
0x9c: {  	s7 =	simm.s32 $_size__tile_overlayer_lowered;
	s8 =	simm.s32 $_tile_overlayer_lowered  }
0x9d: {  	s22 =	simm.s32 $0x1BFF;
	s21 =	sshll.u32 s8, $0x1;
	s5 =	sadd.s32 s6, s19  }
0x9e: {  	s9 =	simm.s32 $0x0;
	s20 =	sshll.u32 s7, $0x1;
	s7 =	sadd.s32 s21, s5  }
0x9f: {  	[timem:s9], [sflag:s22] =	dma.local [hbm:s7], s20  }
0xa0: {  	_ =	swait.ge [sflag:s22], s20  }
0xa1: {  	s6 =	ssub.s32 $0x0, s20;
	[sflag:s22] =	ssyncset.done $0x0  }
0xa2: {  	[sflag:s22] =	ssyncadd.s32 s6;
	_ =	sdelay $0x1  }
0xa3: {  	s23 =	simm.s32 $0x1B8B  }
0xa4: {  	_ =	swait.ge [sflag:s23], $0x1  }
0xa5: {  	[sflag:s23] =	ssyncset.done $0x0  }
0xa6: {  	s25 =	simm.s32 $0x1B8E;
	s24 =	sld [smem:$0x3FFE];
	[sflag:s23] =	ssyncadd.s32 $0xFFFFFFFF  }
0xa7: {  	s26 =	simm.s32 $execute0_lowered;
	[smem:$0x3FD2] =	sst s25  }
0xa8: {  	s7 =	sshll.u32 s26, $0x1;
	_ =	strace $0x80000046;
	[dreg:$0x1] =	wrdreg $0xFFFFFFFF  }
0xa9: {  	s28 =	simm.s32 $_size_execute0_lowered;
	s5 =	sadd.s32 s5, s7;
	[dreg:$0x0] =	wrdreg $0x0  }
0xaa: {  	s7 =	sshll.u32 s28, $0x1;
	[dreg:$0x2] =	wrdreg s5  }
0xab: {  	[dreg:$0x3] =	wrdreg s7  }
0xac: {  	[dreg:$0x4] =	wrdreg $0xC0  }
0xad: {  	_ =	task [dreg:s9], $0x5FFFF  }
0xae: {  	[dreg:$0x1] =	wrdreg $0xFFFFFFFF  }
0xaf: {  	[dreg:$0x0] =	wrdreg $0x60  }
0xb0: {  	[dreg:$0x2] =	wrdreg s18  }
0xb1: {  	[dreg:$0x3] =	wrdreg s24  }
0xb2: {  	[dreg:$0x4] =	wrdreg s2  }
0xb3: {  	[dreg:$0x5] =	wrdreg s4  }
0xb4: {  	[dreg:$0x6] =	wrdreg $0x9  }
0xb5: {  	_ =	task.clear_ibuf [dreg:s9], $0x7FFFF;
	_ =	strace $0x90000046  }
0xb6: {  	s29 =	simm.s32 $0x9;
	_ =	strace $0x80000048  }
0xb7: {  	_ =	swait.ge [sflag:s29], $0x1  }
0xb8: {  	[sflag:s29] =	ssyncadd.s32 $0xFFFFFFFF  }
0xb9: {  	_ =	strace $0x90000048  }
0xba: {  	_ =	sfence  }
0xbb: {  	s30 =	sld [smem:$0x0];
	_ =	sdelay $0x2  }
0xbc: {  	s31 =	sshll.u32 s1, $0xD;
	s1 =	sshrl.u32 s1, $0x2  }
0xbd: {  	s3 =	sand.u32 $0x4000, s31;
	s1 =	sadd.s32 s1, s30  }
0xbe: {  	s0 =	sor.u32 s3, s0;
	s1 =	sshll.u32 s1, $0x11  }
0xbf: {  	s0 =	sor.u32 s1, s0  }
0xc0: {  	s0 =	sadd.s32 $0x8F2B, s0  }
0xc1: {  	[sflag:s0] =	ssyncadd.remote.s32 $0x1  }
0xc2: {  	_ =	sfence.sel $0xFFFF  }
0xc3: {  	[dreg:$0x0] =	wrdreg $0xFFFFFFFF;
	(pc) =	sbr.abs _section_cstart, $3  }
0xc4: {  	[dreg:$0x1] =	wrdreg $0xFFFFFFFF  }
0xc5: {  	_ =	task.clear_ibuf [dreg:s9], $0x2FFFF;
	_ =	strace $0x9FFFFFFF  }
0xc6: {  	(tm) =	ssettm $0x7FFFFFFF  }
0xc7: {  	_ =	shalt  }
tec
execute0_lowered:
.L_overlay_start_1:
0x0: {  	(tag) =	ssettag $0x1  }
0x1: {  	s1 =	rddreg [dreg:$0x0]  }
0x2: {  	s2 =	rddreg [dreg:$0x1]  }
0x3: {  	s4 =	rddreg [dreg:$0x2];
	s3 =	srdreg.scid  }
0x4: {  	s0 =	stileid.u32;
	s9 =	rddreg [dreg:$0x3]  }
0x5: {  	s14 =	simm.s32 $0xC080;
	s15 =	simm.s32 $0x5;
	s16 =	simm.s32 $0x18080  }
0x6: {  	s17 =	simm.s32 $0x18880;
	s18 =	simm.s32 $0x19080;
	s19 =	simm.s32 $0x19880  }
0x7: {  	s28 =	simm.s32 $0x2;
	s29 =	simm.s32 $0x4;
	s30 =	simm.s32 $0x8  }
0x8: {  	s31 =	simm.s32 $0x9;
	s5 =	sand.u32 $0x1, s3;
	s6 =	sshll.u32 s0, $0x1  }
0x9: {  	s3 =	simm.s32 $0x0;
	s11 =	sadd.s32 $0x800, s9;
	s7 =	sor.u32 s5, s6  }
0xa: {  	[smem:$0x7FF] =	sst s3;
	s5 =	ssub.s32 $0x2, s5;
	s6 =	sshll.u32 s7, $0x4  }
0xb: {  	s20 =	smul.u32 $0x3000, s7;
	s8 =	sshllo.u32 s7, $0x1;
	_ =	strace $0x80000047  }
0xc: {  	s22 =	sshrl.u32 s5, $0x1;
	s24 =	sshll.u32 s7, $0xE;
	s7 =	sadd.s32 $0x2000, s1  }
0xd: {  	s2 =	sadd.s32 s6, s2;
	s10 =	smul.u32 $0x1800, s8;
	s12 =	ssub.s32 s5, s22  }
0xe: {  	s5 =	sadd.s32 $0x1000, s1;
	s6 =	sadd.s32 $0x1800, s1;
	s25 =	sadd.s32 s9, s24  }
0xf: {  	s13 =	sshll.u32 s8, $0xD;
	s8 =	sadd.s32 $0x2800, s1;
	s22 =	simm.s32 $0x1B080  }
0x10: {  	s2 =	sadd.s32 $0x400, s2;
	s21 =	sadd.s32 s4, s20;
	[dreg:$0x8] =	wrdreg s25  }
0x11: {  	s26 =	sadd.s32 s9, s13;
	s9 =	sadd.s32 $0x3000, s1;
	s12 =	smax.u32 s12, $0x1  }
0x12: {  	s20 =	simm.s32 $0x1A080;
	s25 =	simm.s32 $0x6;
	[dreg:$0x5] =	wrdreg s2  }
0x13: {  	[dreg:$0x6] =	wrdreg s21;
	s23 =	sadd.s32 s4, s10;
	s4 =	sadd.s32 $0x800, s1  }
0x14: {  	s2 =	sadd.s32 s24, s11;
	s10 =	sadd.s32 $0x3800, s1;
	[dreg:$0xa] =	wrdreg s26  }
0x15: {  	s11 =	sadd.s32 s13, s11;
	s13 =	simm.s32 $0x80;
	s21 =	simm.s32 $0x1A880  }
0x16: {  	v1 =	vlaneseq.u32;
	s24 =	simm.s32 $0x1;
	s26 =	simm.s32 $0x3;
	[dreg:$0x7] =	wrdreg s23  }
0x17: {  	v0 =	vimm.s32 $0x0;
	vm0 =	vmmov $0xffff;
	v1 =	vmul.u32 $0x8, v1;
	[dreg:$0x9] =	wrdreg s2;
	s23 =	simm.s32 $0x1B880;
	s2 =	simm.s32 $0x7  }
.LBB2_1:
0x18: {  	s0 =	rddreg [dreg:$0x5]  }
0x19: {  	[tilespmem:s3], [sflag:$0x5] =	stream.linear.gather [hbm4b:s0+s3], $0x80, $0x38;
	[tilespmem:$0x1C080] =	vst v63  }
0x1a: {  	s1 =	rddreg [dreg:$0x6]  }
0x1b: {  	[tilespmem:s13], [sflag:$0x3] =	stream.linear.gather [hbm4b:s1+s3], $0xC000, $0x38;
	[tilespmem:$0x1C080] =	vst v63  }
0x1c: {  	s0 =	rddreg [dreg:$0x7]  }
0x1d: {  	[tilespmem:s14], [sflag:$0x4] =	stream.linear.gather [hbm4b:s0+s3], $0xC000, $0x38;
	[tilespmem:$0x1C080] =	vst v63  }
0x1e: {  	_ =	swait.ge [sflag:s15], $0x80  }
0x1f: {  	[sflag:s15] =	ssyncset.done $0x0  }
0x20: {  	[sflag:s15] =	ssyncadd.s32 $0xFFFFFF80  }
0x21: {  	v2 =	vld.msk [tilespmem:$0x0], $0x1;
	_ =	sdelay $0x4  }
0x22: {  	v3 =	vshll.u32 v2, $0x7  }
0x23: {  	v2 =	vand.u32 $0x7, v2;
	v3 =	vand.u32 $0xFFFFFC00, v3  }
0x24: {  	v2 =	vor.u32 v2, v3  }
0x25: {  	v2 =	vperm.xlane v2, v0;
	_ =	sdelay $0x1  }
0x26: {  	v2 =	vadd.s32 v1, v2;
	_ =	sdelay $0x3  }
0x27: {  	s1 =	rddreg [dreg:$0x0]  }
0x28: {  	[tilespmem:s16], [sflag:$0x1] =	stream.indirect_vreg.gather [hbm4b:s1+s3], $0x80, v2, vm0, $0xb8;
	[tilespmem:$0x1C080] =	vst v63  }
0x29: {  	_ = 	snop  }
0x2a: {  	[tilespmem:s17], [sflag:$0x1] =	stream.indirect_vreg.gather [hbm4b:s4+s3], $0x80, v2, vm0, $0xb8;
	[tilespmem:$0x1C080] =	vst v63  }
0x2b: {  	_ = 	snop  }
0x2c: {  	[tilespmem:s18], [sflag:$0x1] =	stream.indirect_vreg.gather [hbm4b:s5+s3], $0x80, v2, vm0, $0xb8;
	[tilespmem:$0x1C080] =	vst v63  }
0x2d: {  	_ = 	snop  }
0x2e: {  	[tilespmem:s19], [sflag:$0x1] =	stream.indirect_vreg.gather [hbm4b:s6+s3], $0x80, v2, vm0, $0xb8;
	[tilespmem:$0x1C080] =	vst v63  }
0x2f: {  	_ = 	snop  }
0x30: {  	[tilespmem:s20], [sflag:$0x1] =	stream.indirect_vreg.gather [hbm4b:s7+s3], $0x80, v2, vm0, $0xb8;
	[tilespmem:$0x1C080] =	vst v63  }
0x31: {  	_ = 	snop  }
0x32: {  	[tilespmem:s21], [sflag:$0x1] =	stream.indirect_vreg.gather [hbm4b:s8+s3], $0x80, v2, vm0, $0xb8;
	[tilespmem:$0x1C080] =	vst v63  }
0x33: {  	_ = 	snop  }
0x34: {  	[tilespmem:s22], [sflag:$0x1] =	stream.indirect_vreg.gather [hbm4b:s9+s3], $0x80, v2, vm0, $0xb8;
	[tilespmem:$0x1C080] =	vst v63  }
0x35: {  	_ = 	snop  }
0x36: {  	[tilespmem:s23], [sflag:$0x1] =	stream.indirect_vreg.gather [hbm4b:s10+s3], $0x80, v2, vm0, $0xb8;
	[tilespmem:$0x1C080] =	vst v63  }
0x37: {  	_ =	swait.ge [sflag:s24], $0x4000  }
0x38: {  	[sflag:s24] =	ssyncset.done $0x0  }
0x39: {  	s0 =	rddreg [dreg:$0x8];
	[sflag:s24] =	ssyncadd.s32 $0xFFFFC000  }
0x3a: {  	[hbm4b:s0+s3] =	stream.linear.scatter [tilespmem:s16], [sflag:$0x6], $0x4000, $0x38;
	[tilespmem:$0x1C080] =	vst v63  }
0x3b: {  	_ =	swait.ge [sflag:s25], $0x4000  }
0x3c: {  	[sflag:s25] =	ssyncset.done $0x0  }
0x3d: {  	[sflag:s25] =	ssyncadd.s32 $0xFFFFC000  }
0x3e: {  	_ =	swait.ge [sflag:s26], $0xC000  }
0x3f: {  	[sflag:s26] =	ssyncset.done $0x0  }
0x40: {  	s0 =	rddreg [dreg:$0x9];
	[sflag:s26] =	ssyncadd.s32 $0xFFFF4000  }
0x41: {  	[hbm4b:s0+s3] =	stream.linear.scatter [tilespmem:s13], [sflag:$0x8], $0xC000, $0x38;
	[tilespmem:$0x1C080] =	vst v63  }
0x42: {  	v2 =	vld.msk [tilespmem:$0x8], $0x1;
	_ =	sdelay $0x4  }
0x43: {  	v3 =	vshll.u32 v2, $0x7  }
0x44: {  	v2 =	vand.u32 $0x7, v2;
	v3 =	vand.u32 $0xFFFFFC00, v3  }
0x45: {  	v2 =	vor.u32 v2, v3  }
0x46: {  	v2 =	vperm.xlane v2, v0;
	_ =	sdelay $0x1  }
0x47: {  	v2 =	vadd.s32 v1, v2;
	_ =	sdelay $0x4  }
0x48: {  	[tilespmem:s16], [sflag:$0x2] =	stream.indirect_vreg.gather [hbm4b:s1+s3], $0x80, v2, vm0, $0xb8;
	[tilespmem:$0x1C080] =	vst v63  }
0x49: {  	_ = 	snop  }
0x4a: {  	[tilespmem:s17], [sflag:$0x2] =	stream.indirect_vreg.gather [hbm4b:s4+s3], $0x80, v2, vm0, $0xb8;
	[tilespmem:$0x1C080] =	vst v63  }
0x4b: {  	_ = 	snop  }
0x4c: {  	[tilespmem:s18], [sflag:$0x2] =	stream.indirect_vreg.gather [hbm4b:s5+s3], $0x80, v2, vm0, $0xb8;
	[tilespmem:$0x1C080] =	vst v63  }
0x4d: {  	_ = 	snop  }
0x4e: {  	[tilespmem:s19], [sflag:$0x2] =	stream.indirect_vreg.gather [hbm4b:s6+s3], $0x80, v2, vm0, $0xb8;
	[tilespmem:$0x1C080] =	vst v63  }
0x4f: {  	_ = 	snop  }
0x50: {  	[tilespmem:s20], [sflag:$0x2] =	stream.indirect_vreg.gather [hbm4b:s7+s3], $0x80, v2, vm0, $0xb8;
	[tilespmem:$0x1C080] =	vst v63  }
0x51: {  	_ = 	snop  }
0x52: {  	[tilespmem:s21], [sflag:$0x2] =	stream.indirect_vreg.gather [hbm4b:s8+s3], $0x80, v2, vm0, $0xb8;
	[tilespmem:$0x1C080] =	vst v63  }
0x53: {  	_ = 	snop  }
0x54: {  	[tilespmem:s22], [sflag:$0x2] =	stream.indirect_vreg.gather [hbm4b:s9+s3], $0x80, v2, vm0, $0xb8;
	[tilespmem:$0x1C080] =	vst v63  }
0x55: {  	_ = 	snop  }
0x56: {  	[tilespmem:s23], [sflag:$0x2] =	stream.indirect_vreg.gather [hbm4b:s10+s3], $0x80, v2, vm0, $0xb8;
	[tilespmem:$0x1C080] =	vst v63  }
0x57: {  	_ =	swait.ge [sflag:s28], $0x4000  }
0x58: {  	[sflag:s28] =	ssyncset.done $0x0  }
0x59: {  	s1 =	rddreg [dreg:$0xa];
	[sflag:s28] =	ssyncadd.s32 $0xFFFFC000  }
0x5a: {  	[hbm4b:s1+s3] =	stream.linear.scatter [tilespmem:s16], [sflag:$0x7], $0x4000, $0x38;
	[tilespmem:$0x1C080] =	vst v63  }
0x5b: {  	_ =	swait.ge [sflag:s29], $0xC000  }
0x5c: {  	[sflag:s29] =	ssyncset.done $0x0  }
0x5d: {  	[sflag:s29] =	ssyncadd.s32 $0xFFFF4000  }
0x5e: {  	[hbm4b:s11+s3] =	stream.linear.scatter [tilespmem:s14], [sflag:$0x9], $0xC000, $0x38;
	[tilespmem:$0x1C080] =	vst v63  }
0x5f: {  	_ =	swait.ge [sflag:s30], $0xC000  }
0x60: {  	[sflag:s30] =	ssyncset.done $0x0  }
0x61: {  	[sflag:s30] =	ssyncadd.s32 $0xFFFF4000  }
0x62: {  	p0 =	sne.s32 s12, $0x1;
	_ =	swait.ge [sflag:s31], $0xC000  }
.Ltmp0:
0x63: {  	[sflag:s31] =	ssyncset.done $0x0;
	(pc) =	sbr.rel @p0 .LBB2_1-.Ltmp0, $4  }
0x64: {  	[sflag:s31] =	ssyncadd.s32 $0xFFFF4000  }
0x65: {  	_ =	swait.ge [sflag:s2], $0x4000  }
0x66: {  	[sflag:s2] =	ssyncset.done $0x0  }
0x67: {  	s12 =	sadd.s32 $0xFFFFFFFF, s12;
	[sflag:s2] =	ssyncadd.s32 $0xFFFFC000  }
0x68: {  	_ =	sfence.sel $0x180000  }
0x69: {  	[bflag:$0x0] =	sbarrier.arrive $0xFFFF  }
0x6a: {  	_ =	strace $0x90000047  }
0x6b: {  	s0 =	stileid.u32;
	[bflag:$0x2] =	sbarrier.arrive $0xFFFF  }
0x6c: {  	p0 =	sne.s32 s0, $0x0;
	s0 =	rddreg [dreg:$0x4]  }
0x6d: {  	s0 =	sadd.s32 @!p0 $0x100000, s0  }
0x6e: {  	[sflag:s0] =	ssyncadd.tile.s32 @!p0 $0x1;
	_ =	shalt  }
.Lfunc_end2:
_tile_overlayer_lowered:
.L_overlay_start_2:
0x6f: {  	(tag) =	ssettag $0x2  }
0x70: {  	s0 =	rddreg [dreg:$0x0];
	s2 =	stileid.u32  }
0x71: {  	s1 =	rddreg [dreg:$0x1];
	p0 =	sne.s32 s2, $0x0  }
0x72: {  	s3 =	rddreg [dreg:$0x2];
	[bflag:$0x3] =	sbarrier.arrive $0xFFFF;
	s2 =	simm.s32 @!p0 $0x1C0A  }
0x73: {  	[timem:s3], [sflag:s2] =	dma.local @!p0 [hbm:s0], s1  }
0x74: {  	s0 =	simm.s32 @!p0 $0xA  }
0x75: {  	_ =	swait.ge @!p0 [sflag:s0], s1  }
0x76: {  	s1 =	ssub.s32 @!p0 $0x0, s1;
	[sflag:s0] =	ssyncset.done @!p0 $0x0  }
0x77: {  	[sflag:s0] =	ssyncadd.s32 @!p0 s1  }
0x78: {  	[bflag:$0x3] =	sbarrier.arrive $0xFFFF  }
0x79: {  	_ =	shalt  }

</sc_bundles>
